<compile_context>
chip_gen: v7x
topology: tpu7x:2x2x1
jax: 0.10.2.dev20260603
libtpu: 0.0.44.dev20260713+nightly
codegen_flags: <defaults>
</compile_context>

<pallas_src>
import functools

import jax
import jax.numpy as jnp
from jax import lax
from jax.experimental import pallas as pl
from jax.experimental.pallas import tpu as pltpu
from jax.experimental.pallas import tpu_sc as plsc

_NCORES = 2
_NSUB = 16
_NW = _NCORES * _NSUB
_CS = 80
_NCH = 4


def _idx_body(p_ref, o_ref):
    p = p_ref[...]
    iota = lax.broadcasted_iota(jnp.int32, p.shape, 1)
    o_ref[0, 0, :] = jnp.max(jnp.where(p != 0.0, iota, 0), axis=1)


@functools.lru_cache(maxsize=None)
def _make_gather(N, F, b_per_w):
    mesh = plsc.VectorSubcoreMesh(core_axis_name="c", subcore_axis_name="s")

    @functools.partial(
        pl.kernel,
        mesh=mesh,
        out_type=jax.ShapeDtypeStruct((N, F), jnp.float32),
        scratch_types=[
            pltpu.VMEM((b_per_w,), jnp.int32),
            pltpu.VMEM((_NCH, _CS, F), jnp.float32),
            pltpu.SemaphoreType.DMA,
        ],
    )
    def gather_k(table_hbm, idx_hbm, out_hbm, idx_v, rows_v, sem):
        wid = lax.axis_index("s") * _NCORES + lax.axis_index("c")
        base = wid * b_per_w
        tail = N - (N // b_per_w) * b_per_w

        @pl.when(base + b_per_w <= N)
        def _load_full():
            pltpu.sync_copy(idx_hbm.at[pl.ds(base, b_per_w)], idx_v)

        if tail:
            @pl.when(base + b_per_w > N)
            def _load_tail():
                pltpu.sync_copy(
                    idx_hbm.at[pl.ds(base, tail)], idx_v.at[pl.ds(0, tail)]
                )

        for j in range(_NCH):
            @pl.when(base + (j + 1) * _CS <= N)
            def _start(j=j):
                pltpu.make_async_copy(
                    table_hbm.at[idx_v.at[pl.ds(j * _CS, _CS)]],
                    rows_v.at[j], sem
                ).start()
        for j in range(_NCH):
            @pl.when(base + (j + 1) * _CS <= N)
            def _drain(j=j):
                pltpu.make_async_copy(
                    table_hbm.at[idx_v.at[pl.ds(j * _CS, _CS)]],
                    rows_v.at[j], sem
                ).wait()
                pltpu.sync_copy(
                    rows_v.at[j], out_hbm.at[pl.ds(base + j * _CS, _CS)]
                )

    return gather_k


def kernel(x_coarse, P):
    N, Nc = P.shape
    F = x_coarse.shape[1]

    BM = 2000
    grid = N // BM
    idx3d = pl.pallas_call(
        _idx_body,
        grid=(grid,),
        in_specs=[pl.BlockSpec((BM, Nc), lambda i: (i, 0))],
        out_specs=pl.BlockSpec((1, 1, BM), lambda i: (i, 0, 0)),
        out_shape=jax.ShapeDtypeStruct((grid, 1, BM), jnp.int32),
    )(P)
    idx = idx3d.reshape(N)

    b_per_w = _CS * _NCH
    return _make_gather(N, F, b_per_w)(x_coarse, idx)

# --- scband reference (transcript-rebuilt; emitter-appended) ---
"""Pipeline reference for scband-cmgunpooling-90117003805172 (READ-ONLY COPY).

The authoritative reference and input builder live on the scoring server;
editing this copy changes nothing except your own understanding.
"""

import jax, jax.numpy as jnp
import numpy as np

N = 10000
Nc = 1000
F = 128

def setup_inputs(seed: int = 0) -> dict:
    key = jax.random.key(seed)
    k1, k2 = jax.random.split(key)
    x_coarse = jax.random.normal(k1, (Nc, F), dtype=jnp.float32)
    # Assignment matrix P: one-hot rows mapping each fine node to its coarse cluster.
    assign = jax.random.randint(k2, (N,), 0, Nc)
    P = jax.nn.one_hot(assign, Nc, dtype=jnp.float32)
    return {"x_coarse": x_coarse, "P": P}

def reference(x_coarse, P):
    # CMGUnpooling forward: x_fine = P @ x_coarse
    # With one-hot rows this is equivalent to an embedding gather of coarse features.
    return P @ x_coarse

if __name__ == "__main__":
    import jax
    _d = setup_inputs()
    print(jax.jit(kernel)(*tuple(_d.values())))

</pallas_src>

<mosaic_0001>
#map = affine_map<(d0, d1) -> (0, 0)>
#map1 = affine_map<(d0, d1) -> (0)>
module attributes {stable_mosaic.version = 14 : i64} {
  func.func @gather_k(%arg0: i32, %arg1: i32, %arg2: memref<1000x128xf32, #tpu.memory_space<hbm>>, %arg3: memref<10000xi32, #tpu.memory_space<hbm>>, %arg4: memref<10000x128xf32, #tpu.memory_space<hbm>>, %arg5: memref<320xi32, #tpu.memory_space<vmem>>, %arg6: memref<4x80x128xf32, #tpu.memory_space<vmem>>, %arg7: memref<!tpu.dma_semaphore, #tpu.memory_space<semaphore_mem>>) attributes {dimension_semantics = [#tpu.dimension_semantics<core_parallel>, #tpu.dimension_semantics<subcore_parallel>], iteration_bounds = array<i64: 2, 16>, scalar_prefetch = 0 : i64, scratch_operands = 3 : i64, tpu.core_type = #tpu.core_type<sc_vector_subcore>, window_params = [{transform_indices = #map}, {transform_indices = #map1}, {transform_indices = #map}]} {
    %mul3A = arith.constant 2 : i32
    %mul3A_0 = arith.muli %arg1, %mul3A : i32
    %add3A = arith.addi %mul3A_0, %arg0 : i32
    %mul3A_1 = arith.constant 320 : i32
    %mul3A_2 = arith.muli %add3A, %mul3A_1 : i32
    %add3A_3 = arith.constant 320 : i32
    %add3A_4 = arith.addi %mul3A_2, %add3A_3 : i32
    %le3A = arith.constant 10000 : i32
    %le3A_5 = arith.cmpi sle, %add3A_4, %le3A : i32
    %convert_element_type3A = arith.extui %le3A_5 : i1 to i32
    %cond3A = arith.constant 0 : i32
    %cond3A_6 = arith.cmpi ne, %convert_element_type3A, %cond3A : i32
    scf.if %cond3A_6 {
      "tpu.region"() ({
        %run_scoped3A = tpu.sem_alloc : memref<!tpu.dma_semaphore, #tpu.memory_space<semaphore_mem>>
        %dma_start3A = tpu.memref_slice %arg3[%mul3A_2] : memref<10000xi32, #tpu.memory_space<hbm>> -> memref<320xi32, #tpu.memory_space<hbm>>
        %dma_start3A_69 = tpu.memref_slice %arg3[%mul3A_2] : memref<10000xi32, #tpu.memory_space<hbm>> -> memref<320xi32, #tpu.memory_space<hbm>>
        tpu.enqueue_dma source(%dma_start3A_69 : memref<320xi32, #tpu.memory_space<hbm>>) target(%arg5 : memref<320xi32, #tpu.memory_space<vmem>>) target_semaphore(%run_scoped3A : memref<!tpu.dma_semaphore, #tpu.memory_space<semaphore_mem>>)
        %dma_wait3A = tpu.memref_slice %arg3[%mul3A_2] : memref<10000xi32, #tpu.memory_space<hbm>> -> memref<320xi32, #tpu.memory_space<hbm>>
        %dma_wait3A_70 = tpu.memref_slice %arg3[%mul3A_2] : memref<10000xi32, #tpu.memory_space<hbm>> -> memref<320xi32, #tpu.memory_space<hbm>>
        tpu.wait_dma2 semaphore(%run_scoped3A : memref<!tpu.dma_semaphore, #tpu.memory_space<semaphore_mem>>) src(%dma_wait3A_70 : memref<320xi32, #tpu.memory_space<hbm>>) dst(%arg5 : memref<320xi32, #tpu.memory_space<vmem>>)
        tpu.yield
      }) : () -> ()
    } else {
    }
    %add3A_7 = arith.constant 320 : i32
    %add3A_8 = arith.addi %mul3A_2, %add3A_7 : i32
    %gt3A = arith.constant 10000 : i32
    %gt3A_9 = arith.cmpi sgt, %add3A_8, %gt3A : i32
    %convert_element_type3A_10 = arith.extui %gt3A_9 : i1 to i32
    %cond3A_11 = arith.constant 0 : i32
    %cond3A_12 = arith.cmpi ne, %convert_element_type3A_10, %cond3A_11 : i32
    scf.if %cond3A_12 {
      "tpu.region"() ({
        %run_scoped3A = tpu.sem_alloc : memref<!tpu.dma_semaphore, #tpu.memory_space<semaphore_mem>>
        %dma_start3A = arith.constant 0 : i32
        %dma_start3A_69 = tpu.memref_slice %arg5[%dma_start3A] : memref<320xi32, #tpu.memory_space<vmem>> -> memref<80xi32, #tpu.memory_space<vmem>>
        %dma_start3A_70 = tpu.memref_slice %arg3[%mul3A_2] : memref<10000xi32, #tpu.memory_space<hbm>> -> memref<80xi32, #tpu.memory_space<hbm>>
        %dma_start3A_71 = arith.constant 0 : i32
        %dma_start3A_72 = tpu.memref_slice %arg5[%dma_start3A_71] : memref<320xi32, #tpu.memory_space<vmem>> -> memref<80xi32, #tpu.memory_space<vmem>>
        %dma_start3A_73 = tpu.memref_slice %arg3[%mul3A_2] : memref<10000xi32, #tpu.memory_space<hbm>> -> memref<80xi32, #tpu.memory_space<hbm>>
        tpu.enqueue_dma source(%dma_start3A_73 : memref<80xi32, #tpu.memory_space<hbm>>) target(%dma_start3A_72 : memref<80xi32, #tpu.memory_space<vmem>>) target_semaphore(%run_scoped3A : memref<!tpu.dma_semaphore, #tpu.memory_space<semaphore_mem>>)
        %dma_wait3A = arith.constant 0 : i32
        %dma_wait3A_74 = tpu.memref_slice %arg5[%dma_wait3A] : memref<320xi32, #tpu.memory_space<vmem>> -> memref<80xi32, #tpu.memory_space<vmem>>
        %dma_wait3A_75 = tpu.memref_slice %arg3[%mul3A_2] : memref<10000xi32, #tpu.memory_space<hbm>> -> memref<80xi32, #tpu.memory_space<hbm>>
        %dma_wait3A_76 = arith.constant 0 : i32
        %dma_wait3A_77 = tpu.memref_slice %arg5[%dma_wait3A_76] : memref<320xi32, #tpu.memory_space<vmem>> -> memref<80xi32, #tpu.memory_space<vmem>>
        %dma_wait3A_78 = tpu.memref_slice %arg3[%mul3A_2] : memref<10000xi32, #tpu.memory_space<hbm>> -> memref<80xi32, #tpu.memory_space<hbm>>
        tpu.wait_dma2 semaphore(%run_scoped3A : memref<!tpu.dma_semaphore, #tpu.memory_space<semaphore_mem>>) src(%dma_wait3A_78 : memref<80xi32, #tpu.memory_space<hbm>>) dst(%dma_wait3A_77 : memref<80xi32, #tpu.memory_space<vmem>>)
        tpu.yield
      }) : () -> ()
    } else {
    }
    %add3A_13 = arith.constant 80 : i32
    %add3A_14 = arith.addi %mul3A_2, %add3A_13 : i32
    %le3A_15 = arith.constant 10000 : i32
    %le3A_16 = arith.cmpi sle, %add3A_14, %le3A_15 : i32
    %convert_element_type3A_17 = arith.extui %le3A_16 : i1 to i32
    %cond3A_18 = arith.constant 0 : i32
    %cond3A_19 = arith.cmpi ne, %convert_element_type3A_17, %cond3A_18 : i32
    scf.if %cond3A_19 {
      %dma_start3A = arith.constant 0 : i32
      %dma_start3A_69 = arith.constant 0 : i32
      %dma_start3A_70 = arith.constant 0 : i32
      %dma_start3A_71 = tpu.memref_slice %arg6[%dma_start3A, %dma_start3A_69, %dma_start3A_70] : memref<4x80x128xf32, #tpu.memory_space<vmem>> -> memref<1x80x128xf32, #tpu.memory_space<vmem>>
      %dma_start3A_72 = tpu.memref_squeeze %dma_start3A_71 : memref<1x80x128xf32, #tpu.memory_space<vmem>> -> memref<80x128xf32, #tpu.memory_space<vmem>>
      %dma_start3A_73 = arith.constant 0 : i32
      %dma_start3A_74 = tpu.memref_slice %arg5[%dma_start3A_73] : memref<320xi32, #tpu.memory_space<vmem>> -> memref<80xi32, #tpu.memory_space<vmem>>
      %dma_start3A_75 = arith.constant 0 : i32
      %dma_start3A_76 = arith.constant 0 : i32
      %dma_start3A_77 = tpu.memref_slice %arg2[%dma_start3A_75, %dma_start3A_76] : memref<1000x128xf32, #tpu.memory_space<hbm>> -> memref<1000x128xf32, #tpu.memory_space<hbm>>
      tpu.enqueue_indirect_dma source(%dma_start3A_77 : memref<1000x128xf32, #tpu.memory_space<hbm>>) target(%dma_start3A_72 : memref<80x128xf32, #tpu.memory_space<vmem>>) offsets(%dma_start3A_74 : memref<80xi32, #tpu.memory_space<vmem>>) semaphore(%arg7 : memref<!tpu.dma_semaphore, #tpu.memory_space<semaphore_mem>>)
    } else {
    }
    %add3A_20 = arith.constant 160 : i32
    %add3A_21 = arith.addi %mul3A_2, %add3A_20 : i32
    %le3A_22 = arith.constant 10000 : i32
    %le3A_23 = arith.cmpi sle, %add3A_21, %le3A_22 : i32
    %convert_element_type3A_24 = arith.extui %le3A_23 : i1 to i32
    %cond3A_25 = arith.constant 0 : i32
    %cond3A_26 = arith.cmpi ne, %convert_element_type3A_24, %cond3A_25 : i32
    scf.if %cond3A_26 {
      %dma_start3A = arith.constant 1 : i32
      %dma_start3A_69 = arith.constant 0 : i32
      %dma_start3A_70 = arith.constant 0 : i32
      %dma_start3A_71 = tpu.memref_slice %arg6[%dma_start3A, %dma_start3A_69, %dma_start3A_70] : memref<4x80x128xf32, #tpu.memory_space<vmem>> -> memref<1x80x128xf32, #tpu.memory_space<vmem>>
      %dma_start3A_72 = tpu.memref_squeeze %dma_start3A_71 : memref<1x80x128xf32, #tpu.memory_space<vmem>> -> memref<80x128xf32, #tpu.memory_space<vmem>>
      %dma_start3A_73 = arith.constant 80 : i32
      %dma_start3A_74 = tpu.memref_slice %arg5[%dma_start3A_73] : memref<320xi32, #tpu.memory_space<vmem>> -> memref<80xi32, #tpu.memory_space<vmem>>
      %dma_start3A_75 = arith.constant 0 : i32
      %dma_start3A_76 = arith.constant 0 : i32
      %dma_start3A_77 = tpu.memref_slice %arg2[%dma_start3A_75, %dma_start3A_76] : memref<1000x128xf32, #tpu.memory_space<hbm>> -> memref<1000x128xf32, #tpu.memory_space<hbm>>
      tpu.enqueue_indirect_dma source(%dma_start3A_77 : memref<1000x128xf32, #tpu.memory_space<hbm>>) target(%dma_start3A_72 : memref<80x128xf32, #tpu.memory_space<vmem>>) offsets(%dma_start3A_74 : memref<80xi32, #tpu.memory_space<vmem>>) semaphore(%arg7 : memref<!tpu.dma_semaphore, #tpu.memory_space<semaphore_mem>>)
    } else {
    }
    %add3A_27 = arith.constant 240 : i32
    %add3A_28 = arith.addi %mul3A_2, %add3A_27 : i32
    %le3A_29 = arith.constant 10000 : i32
    %le3A_30 = arith.cmpi sle, %add3A_28, %le3A_29 : i32
    %convert_element_type3A_31 = arith.extui %le3A_30 : i1 to i32
    %cond3A_32 = arith.constant 0 : i32
    %cond3A_33 = arith.cmpi ne, %convert_element_type3A_31, %cond3A_32 : i32
    scf.if %cond3A_33 {
      %dma_start3A = arith.constant 2 : i32
      %dma_start3A_69 = arith.constant 0 : i32
      %dma_start3A_70 = arith.constant 0 : i32
      %dma_start3A_71 = tpu.memref_slice %arg6[%dma_start3A, %dma_start3A_69, %dma_start3A_70] : memref<4x80x128xf32, #tpu.memory_space<vmem>> -> memref<1x80x128xf32, #tpu.memory_space<vmem>>
      %dma_start3A_72 = tpu.memref_squeeze %dma_start3A_71 : memref<1x80x128xf32, #tpu.memory_space<vmem>> -> memref<80x128xf32, #tpu.memory_space<vmem>>
      %dma_start3A_73 = arith.constant 160 : i32
      %dma_start3A_74 = tpu.memref_slice %arg5[%dma_start3A_73] : memref<320xi32, #tpu.memory_space<vmem>> -> memref<80xi32, #tpu.memory_space<vmem>>
      %dma_start3A_75 = arith.constant 0 : i32
      %dma_start3A_76 = arith.constant 0 : i32
      %dma_start3A_77 = tpu.memref_slice %arg2[%dma_start3A_75, %dma_start3A_76] : memref<1000x128xf32, #tpu.memory_space<hbm>> -> memref<1000x128xf32, #tpu.memory_space<hbm>>
      tpu.enqueue_indirect_dma source(%dma_start3A_77 : memref<1000x128xf32, #tpu.memory_space<hbm>>) target(%dma_start3A_72 : memref<80x128xf32, #tpu.memory_space<vmem>>) offsets(%dma_start3A_74 : memref<80xi32, #tpu.memory_space<vmem>>) semaphore(%arg7 : memref<!tpu.dma_semaphore, #tpu.memory_space<semaphore_mem>>)
    } else {
    }
    %add3A_34 = arith.constant 320 : i32
    %add3A_35 = arith.addi %mul3A_2, %add3A_34 : i32
    %le3A_36 = arith.constant 10000 : i32
    %le3A_37 = arith.cmpi sle, %add3A_35, %le3A_36 : i32
    %convert_element_type3A_38 = arith.extui %le3A_37 : i1 to i32
    %cond3A_39 = arith.constant 0 : i32
    %cond3A_40 = arith.cmpi ne, %convert_element_type3A_38, %cond3A_39 : i32
    scf.if %cond3A_40 {
      %dma_start3A = arith.constant 3 : i32
      %dma_start3A_69 = arith.constant 0 : i32
      %dma_start3A_70 = arith.constant 0 : i32
      %dma_start3A_71 = tpu.memref_slice %arg6[%dma_start3A, %dma_start3A_69, %dma_start3A_70] : memref<4x80x128xf32, #tpu.memory_space<vmem>> -> memref<1x80x128xf32, #tpu.memory_space<vmem>>
      %dma_start3A_72 = tpu.memref_squeeze %dma_start3A_71 : memref<1x80x128xf32, #tpu.memory_space<vmem>> -> memref<80x128xf32, #tpu.memory_space<vmem>>
      %dma_start3A_73 = arith.constant 240 : i32
      %dma_start3A_74 = tpu.memref_slice %arg5[%dma_start3A_73] : memref<320xi32, #tpu.memory_space<vmem>> -> memref<80xi32, #tpu.memory_space<vmem>>
      %dma_start3A_75 = arith.constant 0 : i32
      %dma_start3A_76 = arith.constant 0 : i32
      %dma_start3A_77 = tpu.memref_slice %arg2[%dma_start3A_75, %dma_start3A_76] : memref<1000x128xf32, #tpu.memory_space<hbm>> -> memref<1000x128xf32, #tpu.memory_space<hbm>>
      tpu.enqueue_indirect_dma source(%dma_start3A_77 : memref<1000x128xf32, #tpu.memory_space<hbm>>) target(%dma_start3A_72 : memref<80x128xf32, #tpu.memory_space<vmem>>) offsets(%dma_start3A_74 : memref<80xi32, #tpu.memory_space<vmem>>) semaphore(%arg7 : memref<!tpu.dma_semaphore, #tpu.memory_space<semaphore_mem>>)
    } else {
    }
    %add3A_41 = arith.constant 80 : i32
    %add3A_42 = arith.addi %mul3A_2, %add3A_41 : i32
    %le3A_43 = arith.constant 10000 : i32
    %le3A_44 = arith.cmpi sle, %add3A_42, %le3A_43 : i32
    %convert_element_type3A_45 = arith.extui %le3A_44 : i1 to i32
    %cond3A_46 = arith.constant 0 : i32
    %cond3A_47 = arith.cmpi ne, %convert_element_type3A_45, %cond3A_46 : i32
    scf.if %cond3A_47 {
      %dma_wait3A = arith.constant 0 : i32
      %dma_wait3A_69 = arith.constant 0 : i32
      %dma_wait3A_70 = arith.constant 0 : i32
      %dma_wait3A_71 = tpu.memref_slice %arg6[%dma_wait3A, %dma_wait3A_69, %dma_wait3A_70] : memref<4x80x128xf32, #tpu.memory_space<vmem>> -> memref<1x80x128xf32, #tpu.memory_space<vmem>>
      %dma_wait3A_72 = tpu.memref_squeeze %dma_wait3A_71 : memref<1x80x128xf32, #tpu.memory_space<vmem>> -> memref<80x128xf32, #tpu.memory_space<vmem>>
      %dma_wait3A_73 = arith.constant 0 : i32
      %dma_wait3A_74 = tpu.memref_slice %arg5[%dma_wait3A_73] : memref<320xi32, #tpu.memory_space<vmem>> -> memref<80xi32, #tpu.memory_space<vmem>>
      %dma_wait3A_75 = arith.constant 0 : i32
      %dma_wait3A_76 = arith.constant 0 : i32
      %dma_wait3A_77 = tpu.memref_slice %arg2[%dma_wait3A_75, %dma_wait3A_76] : memref<1000x128xf32, #tpu.memory_space<hbm>> -> memref<1000x128xf32, #tpu.memory_space<hbm>>
      tpu.wait_indirect_dma semaphore(%arg7 : memref<!tpu.dma_semaphore, #tpu.memory_space<semaphore_mem>>) src(%dma_wait3A_77 : memref<1000x128xf32, #tpu.memory_space<hbm>>) dst(%dma_wait3A_72 : memref<80x128xf32, #tpu.memory_space<vmem>>)
      %add3A_78 = arith.constant 0 : i32
      %add3A_79 = arith.addi %mul3A_2, %add3A_78 : i32
      %run_scoped3A = arith.constant 0 : i32
      "tpu.region"() ({
        %run_scoped3A_80 = tpu.sem_alloc : memref<!tpu.dma_semaphore, #tpu.memory_space<semaphore_mem>>
        %dma_start3A = arith.constant 0 : i32
        %dma_start3A_81 = arith.constant 0 : i32
        %dma_start3A_82 = tpu.memref_slice %arg6[%run_scoped3A, %dma_start3A, %dma_start3A_81] : memref<4x80x128xf32, #tpu.memory_space<vmem>> -> memref<1x80x128xf32, #tpu.memory_space<vmem>>
        %dma_start3A_83 = tpu.memref_squeeze %dma_start3A_82 : memref<1x80x128xf32, #tpu.memory_space<vmem>> -> memref<80x128xf32, #tpu.memory_space<vmem>>
        %dma_start3A_84 = arith.constant 0 : i32
        %dma_start3A_85 = tpu.memref_slice %arg4[%add3A_79, %dma_start3A_84] : memref<10000x128xf32, #tpu.memory_space<hbm>> -> memref<80x128xf32, #tpu.memory_space<hbm>>
        %dma_start3A_86 = arith.constant 0 : i32
        %dma_start3A_87 = tpu.memref_slice %arg4[%add3A_79, %dma_start3A_86] : memref<10000x128xf32, #tpu.memory_space<hbm>> -> memref<80x128xf32, #tpu.memory_space<hbm>>
        %dma_start3A_88 = arith.constant 0 : i32
        %dma_start3A_89 = arith.constant 0 : i32
        %dma_start3A_90 = tpu.memref_slice %arg6[%run_scoped3A, %dma_start3A_88, %dma_start3A_89] : memref<4x80x128xf32, #tpu.memory_space<vmem>> -> memref<1x80x128xf32, #tpu.memory_space<vmem>>
        %dma_start3A_91 = tpu.memref_squeeze %dma_start3A_90 : memref<1x80x128xf32, #tpu.memory_space<vmem>> -> memref<80x128xf32, #tpu.memory_space<vmem>>
        tpu.enqueue_dma source(%dma_start3A_91 : memref<80x128xf32, #tpu.memory_space<vmem>>) target(%dma_start3A_87 : memref<80x128xf32, #tpu.memory_space<hbm>>) target_semaphore(%run_scoped3A_80 : memref<!tpu.dma_semaphore, #tpu.memory_space<semaphore_mem>>)
        %dma_wait3A_92 = arith.constant 0 : i32
        %dma_wait3A_93 = arith.constant 0 : i32
        %dma_wait3A_94 = tpu.memref_slice %arg6[%run_scoped3A, %dma_wait3A_92, %dma_wait3A_93] : memref<4x80x128xf32, #tpu.memory_space<vmem>> -> memref<1x80x128xf32, #tpu.memory_space<vmem>>
        %dma_wait3A_95 = tpu.memref_squeeze %dma_wait3A_94 : memref<1x80x128xf32, #tpu.memory_space<vmem>> -> memref<80x128xf32, #tpu.memory_space<vmem>>
        %dma_wait3A_96 = arith.constant 0 : i32
        %dma_wait3A_97 = tpu.memref_slice %arg4[%add3A_79, %dma_wait3A_96] : memref<10000x128xf32, #tpu.memory_space<hbm>> -> memref<80x128xf32, #tpu.memory_space<hbm>>
        %dma_wait3A_98 = arith.constant 0 : i32
        %dma_wait3A_99 = tpu.memref_slice %arg4[%add3A_79, %dma_wait3A_98] : memref<10000x128xf32, #tpu.memory_space<hbm>> -> memref<80x128xf32, #tpu.memory_space<hbm>>
        %dma_wait3A_100 = arith.constant 0 : i32
        %dma_wait3A_101 = arith.constant 0 : i32
        %dma_wait3A_102 = tpu.memref_slice %arg6[%run_scoped3A, %dma_wait3A_100, %dma_wait3A_101] : memref<4x80x128xf32, #tpu.memory_space<vmem>> -> memref<1x80x128xf32, #tpu.memory_space<vmem>>
        %dma_wait3A_103 = tpu.memref_squeeze %dma_wait3A_102 : memref<1x80x128xf32, #tpu.memory_space<vmem>> -> memref<80x128xf32, #tpu.memory_space<vmem>>
        tpu.wait_dma2 semaphore(%run_scoped3A_80 : memref<!tpu.dma_semaphore, #tpu.memory_space<semaphore_mem>>) src(%dma_wait3A_103 : memref<80x128xf32, #tpu.memory_space<vmem>>) dst(%dma_wait3A_99 : memref<80x128xf32, #tpu.memory_space<hbm>>)
        tpu.yield
      }) : () -> ()
    } else {
    }
    %add3A_48 = arith.constant 160 : i32
    %add3A_49 = arith.addi %mul3A_2, %add3A_48 : i32
    %le3A_50 = arith.constant 10000 : i32
    %le3A_51 = arith.cmpi sle, %add3A_49, %le3A_50 : i32
    %convert_element_type3A_52 = arith.extui %le3A_51 : i1 to i32
    %cond3A_53 = arith.constant 0 : i32
    %cond3A_54 = arith.cmpi ne, %convert_element_type3A_52, %cond3A_53 : i32
    scf.if %cond3A_54 {
      %dma_wait3A = arith.constant 1 : i32
      %dma_wait3A_69 = arith.constant 0 : i32
      %dma_wait3A_70 = arith.constant 0 : i32
      %dma_wait3A_71 = tpu.memref_slice %arg6[%dma_wait3A, %dma_wait3A_69, %dma_wait3A_70] : memref<4x80x128xf32, #tpu.memory_space<vmem>> -> memref<1x80x128xf32, #tpu.memory_space<vmem>>
      %dma_wait3A_72 = tpu.memref_squeeze %dma_wait3A_71 : memref<1x80x128xf32, #tpu.memory_space<vmem>> -> memref<80x128xf32, #tpu.memory_space<vmem>>
      %dma_wait3A_73 = arith.constant 80 : i32
      %dma_wait3A_74 = tpu.memref_slice %arg5[%dma_wait3A_73] : memref<320xi32, #tpu.memory_space<vmem>> -> memref<80xi32, #tpu.memory_space<vmem>>
      %dma_wait3A_75 = arith.constant 0 : i32
      %dma_wait3A_76 = arith.constant 0 : i32
      %dma_wait3A_77 = tpu.memref_slice %arg2[%dma_wait3A_75, %dma_wait3A_76] : memref<1000x128xf32, #tpu.memory_space<hbm>> -> memref<1000x128xf32, #tpu.memory_space<hbm>>
      tpu.wait_indirect_dma semaphore(%arg7 : memref<!tpu.dma_semaphore, #tpu.memory_space<semaphore_mem>>) src(%dma_wait3A_77 : memref<1000x128xf32, #tpu.memory_space<hbm>>) dst(%dma_wait3A_72 : memref<80x128xf32, #tpu.memory_space<vmem>>)
      %add3A_78 = arith.constant 80 : i32
      %add3A_79 = arith.addi %mul3A_2, %add3A_78 : i32
      %run_scoped3A = arith.constant 1 : i32
      "tpu.region"() ({
        %run_scoped3A_80 = tpu.sem_alloc : memref<!tpu.dma_semaphore, #tpu.memory_space<semaphore_mem>>
        %dma_start3A = arith.constant 0 : i32
        %dma_start3A_81 = arith.constant 0 : i32
        %dma_start3A_82 = tpu.memref_slice %arg6[%run_scoped3A, %dma_start3A, %dma_start3A_81] : memref<4x80x128xf32, #tpu.memory_space<vmem>> -> memref<1x80x128xf32, #tpu.memory_space<vmem>>
        %dma_start3A_83 = tpu.memref_squeeze %dma_start3A_82 : memref<1x80x128xf32, #tpu.memory_space<vmem>> -> memref<80x128xf32, #tpu.memory_space<vmem>>
        %dma_start3A_84 = arith.constant 0 : i32
        %dma_start3A_85 = tpu.memref_slice %arg4[%add3A_79, %dma_start3A_84] : memref<10000x128xf32, #tpu.memory_space<hbm>> -> memref<80x128xf32, #tpu.memory_space<hbm>>
        %dma_start3A_86 = arith.constant 0 : i32
        %dma_start3A_87 = tpu.memref_slice %arg4[%add3A_79, %dma_start3A_86] : memref<10000x128xf32, #tpu.memory_space<hbm>> -> memref<80x128xf32, #tpu.memory_space<hbm>>
        %dma_start3A_88 = arith.constant 0 : i32
        %dma_start3A_89 = arith.constant 0 : i32
        %dma_start3A_90 = tpu.memref_slice %arg6[%run_scoped3A, %dma_start3A_88, %dma_start3A_89] : memref<4x80x128xf32, #tpu.memory_space<vmem>> -> memref<1x80x128xf32, #tpu.memory_space<vmem>>
        %dma_start3A_91 = tpu.memref_squeeze %dma_start3A_90 : memref<1x80x128xf32, #tpu.memory_space<vmem>> -> memref<80x128xf32, #tpu.memory_space<vmem>>
        tpu.enqueue_dma source(%dma_start3A_91 : memref<80x128xf32, #tpu.memory_space<vmem>>) target(%dma_start3A_87 : memref<80x128xf32, #tpu.memory_space<hbm>>) target_semaphore(%run_scoped3A_80 : memref<!tpu.dma_semaphore, #tpu.memory_space<semaphore_mem>>)
        %dma_wait3A_92 = arith.constant 0 : i32
        %dma_wait3A_93 = arith.constant 0 : i32
        %dma_wait3A_94 = tpu.memref_slice %arg6[%run_scoped3A, %dma_wait3A_92, %dma_wait3A_93] : memref<4x80x128xf32, #tpu.memory_space<vmem>> -> memref<1x80x128xf32, #tpu.memory_space<vmem>>
        %dma_wait3A_95 = tpu.memref_squeeze %dma_wait3A_94 : memref<1x80x128xf32, #tpu.memory_space<vmem>> -> memref<80x128xf32, #tpu.memory_space<vmem>>
        %dma_wait3A_96 = arith.constant 0 : i32
        %dma_wait3A_97 = tpu.memref_slice %arg4[%add3A_79, %dma_wait3A_96] : memref<10000x128xf32, #tpu.memory_space<hbm>> -> memref<80x128xf32, #tpu.memory_space<hbm>>
        %dma_wait3A_98 = arith.constant 0 : i32
        %dma_wait3A_99 = tpu.memref_slice %arg4[%add3A_79, %dma_wait3A_98] : memref<10000x128xf32, #tpu.memory_space<hbm>> -> memref<80x128xf32, #tpu.memory_space<hbm>>
        %dma_wait3A_100 = arith.constant 0 : i32
        %dma_wait3A_101 = arith.constant 0 : i32
        %dma_wait3A_102 = tpu.memref_slice %arg6[%run_scoped3A, %dma_wait3A_100, %dma_wait3A_101] : memref<4x80x128xf32, #tpu.memory_space<vmem>> -> memref<1x80x128xf32, #tpu.memory_space<vmem>>
        %dma_wait3A_103 = tpu.memref_squeeze %dma_wait3A_102 : memref<1x80x128xf32, #tpu.memory_space<vmem>> -> memref<80x128xf32, #tpu.memory_space<vmem>>
        tpu.wait_dma2 semaphore(%run_scoped3A_80 : memref<!tpu.dma_semaphore, #tpu.memory_space<semaphore_mem>>) src(%dma_wait3A_103 : memref<80x128xf32, #tpu.memory_space<vmem>>) dst(%dma_wait3A_99 : memref<80x128xf32, #tpu.memory_space<hbm>>)
        tpu.yield
      }) : () -> ()
    } else {
    }
    %add3A_55 = arith.constant 240 : i32
    %add3A_56 = arith.addi %mul3A_2, %add3A_55 : i32
    %le3A_57 = arith.constant 10000 : i32
    %le3A_58 = arith.cmpi sle, %add3A_56, %le3A_57 : i32
    %convert_element_type3A_59 = arith.extui %le3A_58 : i1 to i32
    %cond3A_60 = arith.constant 0 : i32
    %cond3A_61 = arith.cmpi ne, %convert_element_type3A_59, %cond3A_60 : i32
    scf.if %cond3A_61 {
      %dma_wait3A = arith.constant 2 : i32
      %dma_wait3A_69 = arith.constant 0 : i32
      %dma_wait3A_70 = arith.constant 0 : i32
      %dma_wait3A_71 = tpu.memref_slice %arg6[%dma_wait3A, %dma_wait3A_69, %dma_wait3A_70] : memref<4x80x128xf32, #tpu.memory_space<vmem>> -> memref<1x80x128xf32, #tpu.memory_space<vmem>>
      %dma_wait3A_72 = tpu.memref_squeeze %dma_wait3A_71 : memref<1x80x128xf32, #tpu.memory_space<vmem>> -> memref<80x128xf32, #tpu.memory_space<vmem>>
      %dma_wait3A_73 = arith.constant 160 : i32
      %dma_wait3A_74 = tpu.memref_slice %arg5[%dma_wait3A_73] : memref<320xi32, #tpu.memory_space<vmem>> -> memref<80xi32, #tpu.memory_space<vmem>>
      %dma_wait3A_75 = arith.constant 0 : i32
      %dma_wait3A_76 = arith.constant 0 : i32
      %dma_wait3A_77 = tpu.memref_slice %arg2[%dma_wait3A_75, %dma_wait3A_76] : memref<1000x128xf32, #tpu.memory_space<hbm>> -> memref<1000x128xf32, #tpu.memory_space<hbm>>
      tpu.wait_indirect_dma semaphore(%arg7 : memref<!tpu.dma_semaphore, #tpu.memory_space<semaphore_mem>>) src(%dma_wait3A_77 : memref<1000x128xf32, #tpu.memory_space<hbm>>) dst(%dma_wait3A_72 : memref<80x128xf32, #tpu.memory_space<vmem>>)
      %add3A_78 = arith.constant 160 : i32
      %add3A_79 = arith.addi %mul3A_2, %add3A_78 : i32
      %run_scoped3A = arith.constant 2 : i32
      "tpu.region"() ({
        %run_scoped3A_80 = tpu.sem_alloc : memref<!tpu.dma_semaphore, #tpu.memory_space<semaphore_mem>>
        %dma_start3A = arith.constant 0 : i32
        %dma_start3A_81 = arith.constant 0 : i32
        %dma_start3A_82 = tpu.memref_slice %arg6[%run_scoped3A, %dma_start3A, %dma_start3A_81] : memref<4x80x128xf32, #tpu.memory_space<vmem>> -> memref<1x80x128xf32, #tpu.memory_space<vmem>>
        %dma_start3A_83 = tpu.memref_squeeze %dma_start3A_82 : memref<1x80x128xf32, #tpu.memory_space<vmem>> -> memref<80x128xf32, #tpu.memory_space<vmem>>
        %dma_start3A_84 = arith.constant 0 : i32
        %dma_start3A_85 = tpu.memref_slice %arg4[%add3A_79, %dma_start3A_84] : memref<10000x128xf32, #tpu.memory_space<hbm>> -> memref<80x128xf32, #tpu.memory_space<hbm>>
        %dma_start3A_86 = arith.constant 0 : i32
        %dma_start3A_87 = tpu.memref_slice %arg4[%add3A_79, %dma_start3A_86] : memref<10000x128xf32, #tpu.memory_space<hbm>> -> memref<80x128xf32, #tpu.memory_space<hbm>>
        %dma_start3A_88 = arith.constant 0 : i32
        %dma_start3A_89 = arith.constant 0 : i32
        %dma_start3A_90 = tpu.memref_slice %arg6[%run_scoped3A, %dma_start3A_88, %dma_start3A_89] : memref<4x80x128xf32, #tpu.memory_space<vmem>> -> memref<1x80x128xf32, #tpu.memory_space<vmem>>
        %dma_start3A_91 = tpu.memref_squeeze %dma_start3A_90 : memref<1x80x128xf32, #tpu.memory_space<vmem>> -> memref<80x128xf32, #tpu.memory_space<vmem>>
        tpu.enqueue_dma source(%dma_start3A_91 : memref<80x128xf32, #tpu.memory_space<vmem>>) target(%dma_start3A_87 : memref<80x128xf32, #tpu.memory_space<hbm>>) target_semaphore(%run_scoped3A_80 : memref<!tpu.dma_semaphore, #tpu.memory_space<semaphore_mem>>)
        %dma_wait3A_92 = arith.constant 0 : i32
        %dma_wait3A_93 = arith.constant 0 : i32
        %dma_wait3A_94 = tpu.memref_slice %arg6[%run_scoped3A, %dma_wait3A_92, %dma_wait3A_93] : memref<4x80x128xf32, #tpu.memory_space<vmem>> -> memref<1x80x128xf32, #tpu.memory_space<vmem>>
        %dma_wait3A_95 = tpu.memref_squeeze %dma_wait3A_94 : memref<1x80x128xf32, #tpu.memory_space<vmem>> -> memref<80x128xf32, #tpu.memory_space<vmem>>
        %dma_wait3A_96 = arith.constant 0 : i32
        %dma_wait3A_97 = tpu.memref_slice %arg4[%add3A_79, %dma_wait3A_96] : memref<10000x128xf32, #tpu.memory_space<hbm>> -> memref<80x128xf32, #tpu.memory_space<hbm>>
        %dma_wait3A_98 = arith.constant 0 : i32
        %dma_wait3A_99 = tpu.memref_slice %arg4[%add3A_79, %dma_wait3A_98] : memref<10000x128xf32, #tpu.memory_space<hbm>> -> memref<80x128xf32, #tpu.memory_space<hbm>>
        %dma_wait3A_100 = arith.constant 0 : i32
        %dma_wait3A_101 = arith.constant 0 : i32
        %dma_wait3A_102 = tpu.memref_slice %arg6[%run_scoped3A, %dma_wait3A_100, %dma_wait3A_101] : memref<4x80x128xf32, #tpu.memory_space<vmem>> -> memref<1x80x128xf32, #tpu.memory_space<vmem>>
        %dma_wait3A_103 = tpu.memref_squeeze %dma_wait3A_102 : memref<1x80x128xf32, #tpu.memory_space<vmem>> -> memref<80x128xf32, #tpu.memory_space<vmem>>
        tpu.wait_dma2 semaphore(%run_scoped3A_80 : memref<!tpu.dma_semaphore, #tpu.memory_space<semaphore_mem>>) src(%dma_wait3A_103 : memref<80x128xf32, #tpu.memory_space<vmem>>) dst(%dma_wait3A_99 : memref<80x128xf32, #tpu.memory_space<hbm>>)
        tpu.yield
      }) : () -> ()
    } else {
    }
    %add3A_62 = arith.constant 320 : i32
    %add3A_63 = arith.addi %mul3A_2, %add3A_62 : i32
    %le3A_64 = arith.constant 10000 : i32
    %le3A_65 = arith.cmpi sle, %add3A_63, %le3A_64 : i32
    %convert_element_type3A_66 = arith.extui %le3A_65 : i1 to i32
    %cond3A_67 = arith.constant 0 : i32
    %cond3A_68 = arith.cmpi ne, %convert_element_type3A_66, %cond3A_67 : i32
    scf.if %cond3A_68 {
      %dma_wait3A = arith.constant 3 : i32
      %dma_wait3A_69 = arith.constant 0 : i32
      %dma_wait3A_70 = arith.constant 0 : i32
      %dma_wait3A_71 = tpu.memref_slice %arg6[%dma_wait3A, %dma_wait3A_69, %dma_wait3A_70] : memref<4x80x128xf32, #tpu.memory_space<vmem>> -> memref<1x80x128xf32, #tpu.memory_space<vmem>>
      %dma_wait3A_72 = tpu.memref_squeeze %dma_wait3A_71 : memref<1x80x128xf32, #tpu.memory_space<vmem>> -> memref<80x128xf32, #tpu.memory_space<vmem>>
      %dma_wait3A_73 = arith.constant 240 : i32
      %dma_wait3A_74 = tpu.memref_slice %arg5[%dma_wait3A_73] : memref<320xi32, #tpu.memory_space<vmem>> -> memref<80xi32, #tpu.memory_space<vmem>>
      %dma_wait3A_75 = arith.constant 0 : i32
      %dma_wait3A_76 = arith.constant 0 : i32
      %dma_wait3A_77 = tpu.memref_slice %arg2[%dma_wait3A_75, %dma_wait3A_76] : memref<1000x128xf32, #tpu.memory_space<hbm>> -> memref<1000x128xf32, #tpu.memory_space<hbm>>
      tpu.wait_indirect_dma semaphore(%arg7 : memref<!tpu.dma_semaphore, #tpu.memory_space<semaphore_mem>>) src(%dma_wait3A_77 : memref<1000x128xf32, #tpu.memory_space<hbm>>) dst(%dma_wait3A_72 : memref<80x128xf32, #tpu.memory_space<vmem>>)
      %add3A_78 = arith.constant 240 : i32
      %add3A_79 = arith.addi %mul3A_2, %add3A_78 : i32
      %run_scoped3A = arith.constant 3 : i32
      "tpu.region"() ({
        %run_scoped3A_80 = tpu.sem_alloc : memref<!tpu.dma_semaphore, #tpu.memory_space<semaphore_mem>>
        %dma_start3A = arith.constant 0 : i32
        %dma_start3A_81 = arith.constant 0 : i32
        %dma_start3A_82 = tpu.memref_slice %arg6[%run_scoped3A, %dma_start3A, %dma_start3A_81] : memref<4x80x128xf32, #tpu.memory_space<vmem>> -> memref<1x80x128xf32, #tpu.memory_space<vmem>>
        %dma_start3A_83 = tpu.memref_squeeze %dma_start3A_82 : memref<1x80x128xf32, #tpu.memory_space<vmem>> -> memref<80x128xf32, #tpu.memory_space<vmem>>
        %dma_start3A_84 = arith.constant 0 : i32
        %dma_start3A_85 = tpu.memref_slice %arg4[%add3A_79, %dma_start3A_84] : memref<10000x128xf32, #tpu.memory_space<hbm>> -> memref<80x128xf32, #tpu.memory_space<hbm>>
        %dma_start3A_86 = arith.constant 0 : i32
        %dma_start3A_87 = tpu.memref_slice %arg4[%add3A_79, %dma_start3A_86] : memref<10000x128xf32, #tpu.memory_space<hbm>> -> memref<80x128xf32, #tpu.memory_space<hbm>>
        %dma_start3A_88 = arith.constant 0 : i32
        %dma_start3A_89 = arith.constant 0 : i32
        %dma_start3A_90 = tpu.memref_slice %arg6[%run_scoped3A, %dma_start3A_88, %dma_start3A_89] : memref<4x80x128xf32, #tpu.memory_space<vmem>> -> memref<1x80x128xf32, #tpu.memory_space<vmem>>
        %dma_start3A_91 = tpu.memref_squeeze %dma_start3A_90 : memref<1x80x128xf32, #tpu.memory_space<vmem>> -> memref<80x128xf32, #tpu.memory_space<vmem>>
        tpu.enqueue_dma source(%dma_start3A_91 : memref<80x128xf32, #tpu.memory_space<vmem>>) target(%dma_start3A_87 : memref<80x128xf32, #tpu.memory_space<hbm>>) target_semaphore(%run_scoped3A_80 : memref<!tpu.dma_semaphore, #tpu.memory_space<semaphore_mem>>)
        %dma_wait3A_92 = arith.constant 0 : i32
        %dma_wait3A_93 = arith.constant 0 : i32
        %dma_wait3A_94 = tpu.memref_slice %arg6[%run_scoped3A, %dma_wait3A_92, %dma_wait3A_93] : memref<4x80x128xf32, #tpu.memory_space<vmem>> -> memref<1x80x128xf32, #tpu.memory_space<vmem>>
        %dma_wait3A_95 = tpu.memref_squeeze %dma_wait3A_94 : memref<1x80x128xf32, #tpu.memory_space<vmem>> -> memref<80x128xf32, #tpu.memory_space<vmem>>
        %dma_wait3A_96 = arith.constant 0 : i32
        %dma_wait3A_97 = tpu.memref_slice %arg4[%add3A_79, %dma_wait3A_96] : memref<10000x128xf32, #tpu.memory_space<hbm>> -> memref<80x128xf32, #tpu.memory_space<hbm>>
        %dma_wait3A_98 = arith.constant 0 : i32
        %dma_wait3A_99 = tpu.memref_slice %arg4[%add3A_79, %dma_wait3A_98] : memref<10000x128xf32, #tpu.memory_space<hbm>> -> memref<80x128xf32, #tpu.memory_space<hbm>>
        %dma_wait3A_100 = arith.constant 0 : i32
        %dma_wait3A_101 = arith.constant 0 : i32
        %dma_wait3A_102 = tpu.memref_slice %arg6[%run_scoped3A, %dma_wait3A_100, %dma_wait3A_101] : memref<4x80x128xf32, #tpu.memory_space<vmem>> -> memref<1x80x128xf32, #tpu.memory_space<vmem>>
        %dma_wait3A_103 = tpu.memref_squeeze %dma_wait3A_102 : memref<1x80x128xf32, #tpu.memory_space<vmem>> -> memref<80x128xf32, #tpu.memory_space<vmem>>
        tpu.wait_dma2 semaphore(%run_scoped3A_80 : memref<!tpu.dma_semaphore, #tpu.memory_space<semaphore_mem>>) src(%dma_wait3A_103 : memref<80x128xf32, #tpu.memory_space<vmem>>) dst(%dma_wait3A_99 : memref<80x128xf32, #tpu.memory_space<hbm>>)
        tpu.yield
      }) : () -> ()
    } else {
    }
    return
  }
}

module attributes {stable_mosaic.version = 14 : i64} {
  func.func @_idx_body(%arg0: i32, %arg1: memref<2000x1000xf32, #tpu.memory_space<vmem>>, %arg2: memref<1x1x2000xi32, #tpu.memory_space<vmem>>) attributes {dimension_semantics = [#tpu.dimension_semantics<arbitrary>], iteration_bounds = array<i64: 5>, scalar_prefetch = 0 : i64, scratch_operands = 0 : i64, tpu.core_type = #tpu.core_type<tc>, window_params = [{transform_indices = @transform_0, window_bounds = array<i64: 2000, 1000>}, {transform_indices = @transform_1, window_bounds = array<i64: 1, 1, 2000>}]} {
    %get3A = arith.constant 0 : index
    %get3A_0 = arith.constant 0 : index
    %get3A_1 = vector.load %arg1[%get3A, %get3A_0] : memref<2000x1000xf32, #tpu.memory_space<vmem>>, vector<2000x1000xf32>
    %iota3A = tpu.iota {dimensions = array<i32: 1>} : vector<2000x1000xi32>
    %ne3A = arith.constant 0.000000e+00 : f32
    %ne3A_2 = vector.broadcast %ne3A : f32 to vector<2000x1000xf32>
    %ne3A_3 = arith.cmpf one, %get3A_1, %ne3A_2 : vector<2000x1000xf32>
    %jit3A = arith.constant 0 : i32
    %broadcast_in_dim3A = vector.broadcast %jit3A : i32 to vector<2000x1000xi32>
    %select_n3A = arith.select %ne3A_3, %iota3A, %broadcast_in_dim3A : vector<2000x1000xi1>, vector<2000x1000xi32>
    %reduce_max3A = arith.constant dense<-2147483648> : vector<2000xi32>
    %reduce_max3A_4 = vector.multi_reduction <maxsi>, %select_n3A, %reduce_max3A [1] : vector<2000x1000xi32> to vector<2000xi32>
    %swap3A = arith.constant 0 : index
    %swap3A_5 = arith.constant 0 : index
    %swap3A_6 = arith.constant 0 : index
    %swap3A_7 = vector.load %arg2[%swap3A, %swap3A_5, %swap3A_6] : memref<1x1x2000xi32, #tpu.memory_space<vmem>>, vector<1x1x2000xi32>
    %swap3A_8 = vector.shape_cast %swap3A_7 : vector<1x1x2000xi32> to vector<2000xi32>
    %swap3A_9 = vector.shape_cast %reduce_max3A_4 : vector<2000xi32> to vector<1x1x2000xi32>
    tpu.vector_store %arg2[%swap3A, %swap3A_5, %swap3A_6], %swap3A_9 {strides = array<i32>} : memref<1x1x2000xi32, #tpu.memory_space<vmem>>, vector<1x1x2000xi32>,
    return
  }
  func.func @transform_0(%arg0: i32) -> (i32, i32) {
    %c0_i32 = arith.constant 0 : i32
    %c0_i32_0 = arith.constant 0 : i32
    return %arg0, %c0_i32 : i32, i32
  }
  func.func @transform_1(%arg0: i32) -> (i32, i32, i32) {
    %c0_i32 = arith.constant 0 : i32
    %c0_i32_0 = arith.constant 0 : i32
    %c0_i32_1 = arith.constant 0 : i32
    return %arg0, %c0_i32, %c0_i32_0 : i32, i32, i32
  }
}

</mosaic_0001>

<sc_bundles>
// kernel: kernel.4.cloned.1.call-start
scs
__scs_entry_jumppad:
0x0: {  	(pc) =	sbr.rel $0x88, $3  }
0x1: {  	(tag) =	ssettag $0x0;
	lr =	simm.s32 $0x1  }
0x2: {  	[smem:$0x3F9F] =	sst lr;
	_ =	strace $0xD0000000  }
0x3: {  	_ = 	snop  }
0x4: {  	_ = 	snop  }
0x5: {  	_ = 	snop  }
0x6: {  	_ = 	snop  }
0x7: {  	_ = 	snop  }
__scs_overlays_trampoline_lowered:
0x8: {  	[smem:$0x3FAE] =	sst s0  }
0x9: {  	[smem:$0x3FAF] =	sst s1  }
0xa: {  	[smem:$0x3FB0] =	sst s2  }
0xb: {  	[smem:$0x3FB1] =	sst s3  }
0xc: {  	[smem:$0x3FB2] =	sst s4  }
0xd: {  	[smem:$0x3FB3] =	sst s5  }
0xe: {  	[smem:$0x3FB4] =	sst s6  }
0xf: {  	[smem:$0x3FB5] =	sst s7  }
0x10: {  	[smem:$0x3FB6] =	sst s8  }
0x11: {  	[smem:$0x3FB7] =	sst s9;
	s0 =	simm.s32 @!p0 $0x0  }
0x12: {  	s1 =	sld [smem:$0x3F9D];
	s0 =	simm.s32 @p0 $0x1  }
0x13: {  	[smem:$0x3FB8] =	sst s0;
	s0 =	simm.s32 @!p1 $0x0  }
0x14: {  	s2 =	sld [smem:$0x3F9C];
	s0 =	simm.s32 @p1 $0x1  }
0x15: {  	[smem:$0x3FB9] =	sst s0;
	s0 =	simm.s32 @!p2 $0x0  }
0x16: {  	s3 =	sld [smem:$0x3FDB];
	s0 =	simm.s32 @p2 $0x1  }
0x17: {  	s4 =	simm.s32 $0x1BF5;
	[smem:$0x3FBB] =	sst s0  }
0x18: {  	s0 =	sld [smem:$0x3F9E];
	_ =	swait.ge [sflag:s4], $0x0  }
0x19: {  	s7 =	sld [smem:$0x3F9F]  }
0x1a: {  	s8 =	sadd.s32 $0xFFFFE003, lr  }
0x1b: {  	s9 =	sadd.s32 $0xFFFFFEF7, lr;
	s5 =	simm.s32 $0xFFFFFFFF;
	p2 =	slt.u32 s8, $0xFFFFF086  }
0x1c: {  	p1 =	slt.u32 s9, $0xF7A;
	s5 =	simm.s32 @!p2 $0x0  }
0x1d: {  	s5 =	simm.s32 @p1 $0x1;
	p0 =	seq.s32 s7, s2  }
0x1e: {  	s7 =	smul.u32 @!p0 $0xF7A, s2;
	p2 =	seq.s32 @!p0 s5, $0x0  }
0x1f: {  	s9 =	smul.u32 $0xF7A, s1;
	s8 =	simm.s32 @!p0 $0x1BF5;
	p2 =	por !p2, p0  }
0x20: {  	[sflag:s8] =	ssyncset.s32 @!p0 $0xFFFFF086;
	s6 =	sadd.s32 @!p0 s3, s7;
	s7 =	simm.s32 @!p0 $0x108  }
0x21: {  	s3 =	sadd.s32 s3, s9;
	s6 =	sadd.s32 @!p0 $0x88, s6;
	s7 =	simm.s32 @p2 $0x1082  }
0x22: {  	[simem:s7], [sflag:s8] =	dma.local @!p0 [hbm:s6], $0xF7A  }
0x23: {  	s9 =	sor.u32 $0xD0000000, s2;
	s6 =	simm.s32 $0x108;
	_ =	swait.ge @!p0 [sflag:s8], $0x0  }
0x24: {  	s3 =	sadd.s32 $0x88, s3;
	s6 =	simm.s32 @!p1 $0x1082;
	[sflag:s4] =	ssyncset.s32 $0xFFFFF086  }
0x25: {  	[simem:s6], [sflag:s4] =	dma.local [hbm:s3], $0xF7A  }
0x26: {  	[smem:$0x3F9F] =	sst s1;
	(tag) =	ssettag s2;
	_ =	strace s9  }
0x27: {  	s1 =	sld [smem:$0x3FAF]  }
0x28: {  	s2 =	sld [smem:$0x3FB0]  }
0x29: {  	s4 =	sld [smem:$0x3FB2]  }
0x2a: {  	p0 =	seq.s32 s5, $0x0;
	s5 =	sld [smem:$0x3FB3]  }
0x2b: {  	s6 =	sld [smem:$0x3FB4]  }
0x2c: {  	s7 =	sld [smem:$0x3FB5]  }
0x2d: {  	s3 =	simm.s32 $0x108;
	s8 =	sld [smem:$0x3FB6]  }
0x2e: {  	s3 =	simm.s32 @!p0 $0x1082;
	s9 =	sld [smem:$0x3FB7]  }
0x2f: {  	lr =	sadd.s32 s0, s3;
	s0 =	sld [smem:$0x3FAE]  }
0x30: {  	s3 =	sld [smem:$0x3FB1]  }
0x31: {  	[smem:$0x3FBA] =	sst s10  }
0x32: {  	s10 =	sld [smem:$0x3FB8];
	_ =	sdelay $0x3  }
0x33: {  	p0 =	seq.s32 s10, $0x1;
	s10 =	sld [smem:$0x3FBA];
	_ =	sdelay $0x3  }
0x34: {  	[smem:$0x3FBA] =	sst s10  }
0x35: {  	s10 =	sld [smem:$0x3FB9];
	_ =	sdelay $0x3  }
0x36: {  	p1 =	seq.s32 s10, $0x1;
	s10 =	sld [smem:$0x3FBA];
	_ =	sdelay $0x3  }
0x37: {  	[smem:$0x3FBA] =	sst s10  }
0x38: {  	s10 =	sld [smem:$0x3FBB]  }
0x39: {  	_ = 	snop;
	(pc) =	sbr.ind lr, $3  }
0x3a: {  	_ = 	snop  }
0x3b: {  	_ = 	snop  }
0x3c: {  	p2 =	seq.s32 s10, $0x1;
	s10 =	sld [smem:$0x3FBA]  }
0x3d: {  	_ =	shalt  }
0x3e: {  	_ =	shalt  }
0x3f: {  	_ =	shalt  }
0x40: {  	_ =	shalt  }
0x41: {  	_ =	shalt  }
0x42: {  	_ =	shalt  }
0x43: {  	_ =	shalt  }
0x44: {  	_ =	shalt  }
0x45: {  	_ =	shalt  }
0x46: {  	_ =	shalt  }
0x47: {  	_ =	shalt  }
0x48: {  	_ =	shalt  }
0x49: {  	_ =	shalt  }
0x4a: {  	_ =	shalt  }
0x4b: {  	_ =	shalt  }
0x4c: {  	_ =	shalt  }
0x4d: {  	_ =	shalt  }
0x4e: {  	_ =	shalt  }
0x4f: {  	_ =	shalt  }
0x50: {  	_ =	shalt  }
0x51: {  	_ =	shalt  }
0x52: {  	_ =	shalt  }
0x53: {  	_ =	shalt  }
0x54: {  	_ =	shalt  }
0x55: {  	_ =	shalt  }
0x56: {  	_ =	shalt  }
0x57: {  	_ =	shalt  }
0x58: {  	_ =	shalt  }
0x59: {  	_ =	shalt  }
0x5a: {  	_ =	shalt  }
0x5b: {  	_ =	shalt  }
0x5c: {  	_ =	shalt  }
0x5d: {  	_ =	shalt  }
0x5e: {  	_ =	shalt  }
0x5f: {  	_ =	shalt  }
0x60: {  	_ =	shalt  }
0x61: {  	_ =	shalt  }
0x62: {  	_ =	shalt  }
0x63: {  	_ =	shalt  }
0x64: {  	_ =	shalt  }
0x65: {  	_ =	shalt  }
0x66: {  	_ =	shalt  }
0x67: {  	_ =	shalt  }
0x68: {  	_ =	shalt  }
0x69: {  	_ =	shalt  }
0x6a: {  	_ =	shalt  }
0x6b: {  	_ =	shalt  }
0x6c: {  	_ =	shalt  }
0x6d: {  	_ =	shalt  }
0x6e: {  	_ =	shalt  }
0x6f: {  	_ =	shalt  }
0x70: {  	_ =	shalt  }
0x71: {  	_ =	shalt  }
0x72: {  	_ =	shalt  }
0x73: {  	_ =	shalt  }
0x74: {  	_ =	shalt  }
0x75: {  	_ =	shalt  }
0x76: {  	_ =	shalt  }
0x77: {  	_ =	shalt  }
0x78: {  	_ =	shalt  }
0x79: {  	_ =	shalt  }
0x7a: {  	_ =	shalt  }
0x7b: {  	_ =	shalt  }
0x7c: {  	_ =	shalt  }
0x7d: {  	_ =	shalt  }
0x7e: {  	_ =	shalt  }
0x7f: {  	_ =	shalt  }
0x80: {  	_ =	shalt  }
0x81: {  	_ =	shalt  }
0x82: {  	_ =	shalt  }
0x83: {  	_ =	shalt  }
0x84: {  	_ =	shalt  }
0x85: {  	_ =	shalt  }
0x86: {  	_ =	shalt  }
0x87: {  	_ =	shalt  }
.Lfunc_end0:
.L_simem_size_0:
called_computation_lowered:
.L_overlay_start_0:
0x88: {  	s2 =	sld [smem:$0x3FD9]  }
0x89: {  	s3 =	sld [smem:$0x3FFE];
	_ =	sdelay $0x1  }
0x8a: {  	s1 =	srdreg.scid  }
0x8b: {  	s0 =	sand.u32 $0x1, s1  }
0x8c: {  	s17 =	sshll.u32 s0, $0xA;
	s2 =	sadd.s32 s3, s2  }
0x8d: {  	s2 =	sadd.s32 s2, s17  }
0x8e: {  	[smem:$0x3FC6] =	sst s2  }
0x8f: {  	_ = 	snop  }
0x90: {  	s2 =	sld [smem:$0x3FC9]  }
0x91: {  	s18 =	sld [smem:$0x3FD0];
	(tm) =	ssettm $0x1  }
0x92: {  	s4 =	sld [smem:$0x3FFB];
	_ =	sdelay $0x3  }
0x93: {  	_ =	strace s4  }
0x94: {  	s4 =	sld [smem:$0x3FFC];
	_ =	sdelay $0x3  }
0x95: {  	_ =	strace s4  }
0x96: {  	s4 =	sld [smem:$0x3FFD];
	_ =	sdelay $0x3  }
0x97: {  	_ =	strace s4  }
0x98: {  	_ =	strace $0x8FFFFFFF  }
0x99: {  	s19 =	sld [smem:$0x3FDB];
	_ =	sdelay $0x1  }
0x9a: {  	s5 =	simm.s32 $_scs_section_size  }
0x9b: {  	s6 =	simm.s32 $_size__tile_overlayer_lowered;
	s7 =	simm.s32 $_tile_overlayer_lowered  }
0x9c: {  	s22 =	simm.s32 $0x1BFF;
	s21 =	sshll.u32 s7, $0x1;
	s4 =	sadd.s32 s5, s19  }
0x9d: {  	s8 =	simm.s32 $0x0;
	s20 =	sshll.u32 s6, $0x1;
	s6 =	sadd.s32 s21, s4  }
0x9e: {  	[timem:s8], [sflag:s22] =	dma.local [hbm:s6], s20  }
0x9f: {  	_ =	swait.ge [sflag:s22], s20  }
0xa0: {  	s5 =	ssub.s32 $0x0, s20;
	[sflag:s22] =	ssyncset.done $0x0  }
0xa1: {  	[sflag:s22] =	ssyncadd.s32 s5;
	_ =	sdelay $0x1  }
0xa2: {  	s23 =	simm.s32 $0x1B8B  }
0xa3: {  	_ =	swait.ge [sflag:s23], $0x1  }
0xa4: {  	[sflag:s23] =	ssyncset.done $0x0  }
0xa5: {  	s25 =	simm.s32 $0x1B8E;
	s24 =	sld [smem:$0x3FFE];
	[sflag:s23] =	ssyncadd.s32 $0xFFFFFFFF  }
0xa6: {  	s26 =	simm.s32 $execute0_lowered;
	[smem:$0x3FD2] =	sst s25  }
0xa7: {  	s6 =	sshll.u32 s26, $0x1;
	_ =	strace $0x80000046;
	[dreg:$0x1] =	wrdreg $0xFFFFFFFF  }
0xa8: {  	s28 =	simm.s32 $_size_execute0_lowered;
	s4 =	sadd.s32 s4, s6;
	[dreg:$0x0] =	wrdreg $0x0  }
0xa9: {  	s6 =	sshll.u32 s28, $0x1;
	[dreg:$0x2] =	wrdreg s4  }
0xaa: {  	[dreg:$0x3] =	wrdreg s6  }
0xab: {  	[dreg:$0x4] =	wrdreg $0xC0  }
0xac: {  	_ =	task [dreg:s8], $0x5FFFF  }
0xad: {  	[dreg:$0x1] =	wrdreg $0xFFFFFFFF  }
0xae: {  	[dreg:$0x0] =	wrdreg $0x60  }
0xaf: {  	[dreg:$0x2] =	wrdreg s2  }
0xb0: {  	[dreg:$0x3] =	wrdreg s24  }
0xb1: {  	[dreg:$0x4] =	wrdreg s18  }
0xb2: {  	[dreg:$0x5] =	wrdreg $0x9  }
0xb3: {  	_ =	task.clear_ibuf [dreg:s8], $0x6FFFF;
	_ =	strace $0x90000046  }
0xb4: {  	s29 =	simm.s32 $0x9;
	_ =	strace $0x80000048  }
0xb5: {  	_ =	swait.ge [sflag:s29], $0x1  }
0xb6: {  	[sflag:s29] =	ssyncadd.s32 $0xFFFFFFFF  }
0xb7: {  	_ =	strace $0x90000048  }
0xb8: {  	_ =	sfence  }
0xb9: {  	s30 =	sld [smem:$0x0];
	_ =	sdelay $0x2  }
0xba: {  	s31 =	sshll.u32 s1, $0xD;
	s1 =	sshrl.u32 s1, $0x2  }
0xbb: {  	s3 =	sand.u32 $0x4000, s31;
	s1 =	sadd.s32 s1, s30  }
0xbc: {  	s0 =	sor.u32 s3, s0;
	s1 =	sshll.u32 s1, $0x11  }
0xbd: {  	s0 =	sor.u32 s1, s0  }
0xbe: {  	s0 =	sadd.s32 $0x8F2B, s0  }
0xbf: {  	[sflag:s0] =	ssyncadd.remote.s32 $0x1  }
0xc0: {  	_ =	sfence.sel $0xFFFF  }
0xc1: {  	[dreg:$0x0] =	wrdreg $0xFFFFFFFF;
	(pc) =	sbr.abs _section_cstart, $3  }
0xc2: {  	[dreg:$0x1] =	wrdreg $0xFFFFFFFF  }
0xc3: {  	_ =	task.clear_ibuf [dreg:s8], $0x2FFFF;
	_ =	strace $0x9FFFFFFF  }
0xc4: {  	(tm) =	ssettm $0x7FFFFFFF  }
0xc5: {  	_ =	shalt  }
tec
execute0_lowered:
.L_overlay_start_1:
0x0: {  	(tag) =	ssettag $0x1  }
0x1: {  	s1 =	srdreg.scid;
	s13 =	stileid.u32  }
0x2: {  	s1 =	sand.u32 $0x1, s1;
	s3 =	sshll.u32 s13, $0x1  }
0x3: {  	s8 =	sor.u32 s1, s3;
	s1 =	ssub.s32 $0x2, s1  }
0x4: {  	s4 =	rddreg [dreg:$0x0];
	s5 =	sshrl.u32 s1, $0x1  }
0x5: {  	s0 =	rddreg [dreg:$0x1];
	s3 =	smul.u32 $0x28, s8;
	s1 =	ssub.s32 s1, s5  }
0x6: {  	s2 =	rddreg [dreg:$0x2];
	s31 =	smax.u32 s1, $0x1  }
0x7: {  	s9 =	sadd.s32 $0x4D8, s0;
	s12 =	sadd.s32 s0, s3;
	s0 =	sadd.s32 $0xFFFFFFFF, s31  }
0x8: {  	s14 =	rddreg [dreg:$0x3];
	p3 =	sne.s32 s0, $0x0  }
.Ltmp0:
0x9: {  	s6 =	simm.s32 $0x0;
	s10 =	simm.s32 $0x1;
	(pc) =	sbr.rel @!p3 .LBB2_5-.Ltmp0, $4  }
0xa: {  	s11 =	simm.s32 $0x180;
	[smem:$0x7FF] =	sst s6;
	s7 =	smul.u32 $0x1400, s8  }
0xb: {  	p2 =	por $0x0, $0x0;
	_ =	strace $0x80000047;
	p1 =	sne.s32 s8, $0x1F  }
0xc: {  	p0 =	seq.s32 s8, $0x1F;
	s8 =	simm.s32 $0x2;
	s7 =	sadd.s32 s2, s7  }
0xd: {  	s5 =	sadd.s32 $0x500, s7;
	s3 =	sadd.s32 $0xA00, s7;
	s2 =	sadd.s32 $0xF00, s7  }
0xe: {  	s13 =	simm.s32 @p1 $0x0;
	s14 =	simm.s32 @p1 $0x2  }
0xf: {  	[tilespmem:s13], [sflag:$0x2] =	stream.linear.gather @p1 [hbm4b:s12+s13], $0x140, $0x38;
	[tilespmem:$0xA180] =	vst v63  }
0x10: {  	_ =	swait.ge @p1 [sflag:s14], $0x140  }
0x11: {  	[sflag:s14] =	ssyncset.done @p1 $0x0  }
0x12: {  	s15 =	simm.s32 @p1 $0x50;
	s16 =	simm.s32 @p1 $0x180;
	[sflag:s14] =	ssyncadd.s32 @p1 $0xFFFFFEC0  }
0x13: {  	[tilespmem:s16], [sflag:$0x1] =	stream.indirect.gather @p1 [hbm4b:s4+s15], $0x80, s13, s15, $0xb8;
	[tilespmem:$0xA180] =	vst v63  }
0x14: {  	s17 =	simm.s32 @p1 $0x2980  }
0x15: {  	[tilespmem:s17], [sflag:$0x1] =	stream.indirect.gather @p1 [hbm4b:s4+s15], $0x80, s15, s15, $0xb8;
	[tilespmem:$0xA180] =	vst v63  }
0x16: {  	s18 =	simm.s32 @p1 $0xA0;
	s19 =	simm.s32 @p1 $0x5180  }
0x17: {  	[tilespmem:s19], [sflag:$0x1] =	stream.indirect.gather @p1 [hbm4b:s4+s15], $0x80, s18, s15, $0xb8;
	[tilespmem:$0xA180] =	vst v63  }
0x18: {  	s20 =	simm.s32 @p1 $0xF0;
	s21 =	simm.s32 @p1 $0x7980  }
0x19: {  	[tilespmem:s21], [sflag:$0x1] =	stream.indirect.gather @p1 [hbm4b:s4+s15], $0x80, s20, s15, $0xb8;
	[tilespmem:$0xA180] =	vst v63  }
0x1a: {  	s22 =	simm.s32 @!p1 $0x0;
	s23 =	simm.s32 @!p1 $0x2  }
0x1b: {  	[tilespmem:s22], [sflag:$0x2] =	stream.linear.gather @!p1 [hbm4b:s9+s22], $0x50, $0x38;
	[tilespmem:$0xA180] =	vst v63  }
0x1c: {  	_ =	swait.ge @!p1 [sflag:s23], $0x50  }
0x1d: {  	[sflag:s23] =	ssyncset.done @!p1 $0x0  }
0x1e: {  	s24 =	simm.s32 @!p1 $0x50;
	s25 =	simm.s32 @!p1 $0x180;
	[sflag:s23] =	ssyncadd.s32 @!p1 $0xFFFFFFB0  }
0x1f: {  	[tilespmem:s25], [sflag:$0x1] =	stream.indirect.gather @!p1 [hbm4b:s4+s24], $0x80, s22, s24, $0xb8;
	[tilespmem:$0xA180] =	vst v63  }
0x20: {  	_ =	swait.ge [sflag:s10], $0x2800  }
0x21: {  	[sflag:s10] =	ssyncset.done $0x0  }
0x22: {  	[sflag:s10] =	ssyncadd.s32 $0xFFFFD800  }
0x23: {  	[hbm4b:s7+s6] =	stream.linear.scatter [tilespmem:s11], [sflag:$0x2], $0x2800, $0x38;
	[tilespmem:$0xA180] =	vst v63  }
0x24: {  	_ =	swait.ge [sflag:s8], $0x2800  }
0x25: {  	[sflag:s8] =	ssyncset.done $0x0  }
0x26: {  	s28 =	simm.s32 @!p0 $0x1;
	[sflag:s8] =	ssyncadd.s32 $0xFFFFD800  }
0x27: {  	_ =	swait.ge @!p0 [sflag:s28], $0x2800  }
0x28: {  	s26 =	simm.s32 @!p0 $0x2;
	[sflag:s28] =	ssyncset.done @!p0 $0x0  }
0x29: {  	s29 =	simm.s32 @!p0 $0x0;
	s30 =	simm.s32 @!p0 $0x2980;
	[sflag:s28] =	ssyncadd.s32 @!p0 $0xFFFFD800  }
0x2a: {  	[hbm4b:s5+s29] =	stream.linear.scatter @!p0 [tilespmem:s30], [sflag:$0x2], $0x2800, $0x38;
	[tilespmem:$0xA180] =	vst v63  }
0x2b: {  	_ =	swait.ge @!p0 [sflag:s26], $0x2800  }
0x2c: {  	[sflag:s26] =	ssyncset.done @!p0 $0x0  }
0x2d: {  	[sflag:s26] =	ssyncadd.s32 @!p0 $0xFFFFD800  }
0x2e: {  	_ =	swait.ge @!p0 [sflag:s28], $0x2800  }
0x2f: {  	[sflag:s28] =	ssyncset.done @!p0 $0x0  }
0x30: {  	s31 =	simm.s32 @!p0 $0x5180;
	[sflag:s28] =	ssyncadd.s32 @!p0 $0xFFFFD800  }
0x31: {  	[hbm4b:s3+s29] =	stream.linear.scatter @!p0 [tilespmem:s31], [sflag:$0x2], $0x2800, $0x38;
	[tilespmem:$0xA180] =	vst v63  }
0x32: {  	_ =	swait.ge @!p0 [sflag:s26], $0x2800  }
0x33: {  	[sflag:s26] =	ssyncset.done @!p0 $0x0  }
0x34: {  	s1 =	sadd.s32 $0xFFFFFFFF, s0;
	[sflag:s26] =	ssyncadd.s32 @!p0 $0xFFFFD800  }
0x35: {  	p3 =	sne.s32 s1, $0x0;
	_ =	swait.ge @!p0 [sflag:s28], $0x2800  }
.Ltmp1:
0x36: {  	[sflag:s28] =	ssyncset.done @!p0 $0x0;
	(pc) =	sbr.rel @!p3 .LBB2_2-.Ltmp1, $4  }
0x37: {  	s0 =	simm.s32 @!p0 $0x7980;
	[sflag:s28] =	ssyncadd.s32 @!p0 $0xFFFFD800  }
0x38: {  	[hbm4b:s2+s29] =	stream.linear.scatter @!p0 [tilespmem:s0], [sflag:$0x2], $0x2800, $0x38;
	[tilespmem:$0xA180] =	vst v63  }
0x39: {  	_ =	swait.ge @!p0 [sflag:s26], $0x2800  }
0x3a: {  	p2 =	por $0x1, $0x1;
	[sflag:s26] =	ssyncset.done @!p0 $0x0  }
.LBB2_3:
0x3b: {  	[sflag:s26] =	ssyncadd.s32 @!p0 $0xFFFFD800  }
0x3c: {  	[tilespmem:s13], [sflag:$0x2] =	stream.linear.gather @p1 [hbm4b:s12+s13], $0x140, $0x38;
	[tilespmem:$0xA180] =	vst v63  }
0x3d: {  	s1 =	sadd.s32 $0xFFFFFFFF, s1;
	_ =	swait.ge @p1 [sflag:s14], $0x140  }
0x3e: {  	p3 =	sne.s32 s1, $0x0;
	[sflag:s14] =	ssyncset.done @p1 $0x0  }
0x3f: {  	[sflag:s14] =	ssyncadd.s32 @p1 $0xFFFFFEC0  }
0x40: {  	[tilespmem:s16], [sflag:$0x1] =	stream.indirect.gather @p1 [hbm4b:s4+s15], $0x80, s13, s15, $0xb8;
	[tilespmem:$0xA180] =	vst v63  }
0x41: {  	_ = 	snop  }
0x42: {  	[tilespmem:s17], [sflag:$0x1] =	stream.indirect.gather @p1 [hbm4b:s4+s15], $0x80, s15, s15, $0xb8;
	[tilespmem:$0xA180] =	vst v63  }
0x43: {  	_ = 	snop  }
0x44: {  	[tilespmem:s19], [sflag:$0x1] =	stream.indirect.gather @p1 [hbm4b:s4+s15], $0x80, s18, s15, $0xb8;
	[tilespmem:$0xA180] =	vst v63  }
0x45: {  	_ = 	snop  }
0x46: {  	[tilespmem:s21], [sflag:$0x1] =	stream.indirect.gather @p1 [hbm4b:s4+s15], $0x80, s20, s15, $0xb8;
	[tilespmem:$0xA180] =	vst v63  }
0x47: {  	_ = 	snop  }
0x48: {  	[tilespmem:s22], [sflag:$0x2] =	stream.linear.gather @!p1 [hbm4b:s9+s22], $0x50, $0x38;
	[tilespmem:$0xA180] =	vst v63  }
0x49: {  	_ =	swait.ge @!p1 [sflag:s23], $0x50  }
0x4a: {  	[sflag:s23] =	ssyncset.done @!p1 $0x0  }
0x4b: {  	[sflag:s23] =	ssyncadd.s32 @!p1 $0xFFFFFFB0  }
0x4c: {  	[tilespmem:s25], [sflag:$0x1] =	stream.indirect.gather @!p1 [hbm4b:s4+s24], $0x80, s22, s24, $0xb8;
	[tilespmem:$0xA180] =	vst v63  }
0x4d: {  	_ =	swait.ge [sflag:s10], $0x2800  }
0x4e: {  	[sflag:s10] =	ssyncset.done $0x0  }
0x4f: {  	[sflag:s10] =	ssyncadd.s32 $0xFFFFD800  }
0x50: {  	[hbm4b:s7+s6] =	stream.linear.scatter [tilespmem:s11], [sflag:$0x2], $0x2800, $0x38;
	[tilespmem:$0xA180] =	vst v63  }
0x51: {  	_ =	swait.ge [sflag:s8], $0x2800  }
0x52: {  	[sflag:s8] =	ssyncset.done $0x0  }
0x53: {  	[sflag:s8] =	ssyncadd.s32 $0xFFFFD800  }
0x54: {  	_ =	swait.ge @!p0 [sflag:s28], $0x2800  }
0x55: {  	[sflag:s28] =	ssyncset.done @!p0 $0x0  }
0x56: {  	[sflag:s28] =	ssyncadd.s32 @!p0 $0xFFFFD800  }
0x57: {  	[hbm4b:s5+s29] =	stream.linear.scatter @!p0 [tilespmem:s30], [sflag:$0x2], $0x2800, $0x38;
	[tilespmem:$0xA180] =	vst v63  }
0x58: {  	_ =	swait.ge @!p0 [sflag:s26], $0x2800  }
0x59: {  	[sflag:s26] =	ssyncset.done @!p0 $0x0  }
0x5a: {  	[sflag:s26] =	ssyncadd.s32 @!p0 $0xFFFFD800  }
0x5b: {  	_ =	swait.ge @!p0 [sflag:s28], $0x2800  }
0x5c: {  	[sflag:s28] =	ssyncset.done @!p0 $0x0  }
0x5d: {  	[sflag:s28] =	ssyncadd.s32 @!p0 $0xFFFFD800  }
0x5e: {  	[hbm4b:s3+s29] =	stream.linear.scatter @!p0 [tilespmem:s31], [sflag:$0x2], $0x2800, $0x38;
	[tilespmem:$0xA180] =	vst v63  }
0x5f: {  	_ =	swait.ge @!p0 [sflag:s26], $0x2800  }
0x60: {  	[sflag:s26] =	ssyncset.done @!p0 $0x0  }
0x61: {  	[sflag:s26] =	ssyncadd.s32 @!p0 $0xFFFFD800  }
0x62: {  	_ =	swait.ge @!p0 [sflag:s28], $0x2800  }
.Ltmp2:
0x63: {  	[sflag:s28] =	ssyncset.done @!p0 $0x0;
	(pc) =	sbr.rel @p3 .LBB2_3-.Ltmp2, $4  }
0x64: {  	[sflag:s28] =	ssyncadd.s32 @!p0 $0xFFFFD800  }
0x65: {  	[hbm4b:s2+s29] =	stream.linear.scatter @!p0 [tilespmem:s0], [sflag:$0x2], $0x2800, $0x38;
	[tilespmem:$0xA180] =	vst v63  }
0x66: {  	_ =	swait.ge @!p0 [sflag:s26], $0x2800  }
0x67: {  	[sflag:s26] =	ssyncset.done @!p0 $0x0  }
0x68: {  	s13 =	stileid.u32;
	s14 =	rddreg [dreg:$0x3]  }
.LBB2_5:
0x69: {  	p2 =	por p0, !p2  }
0x6a: {  	s0 =	simm.s32 @p1 $0x0;
	s1 =	simm.s32 @p1 $0x2;
	[sflag:s26] =	ssyncadd.s32 @!p2 $0xFFFFD800  }
0x6b: {  	[tilespmem:s0], [sflag:$0x2] =	stream.linear.gather @p1 [hbm4b:s12+s0], $0x140, $0x38;
	[tilespmem:$0xA180] =	vst v63  }
0x6c: {  	_ =	swait.ge @p1 [sflag:s1], $0x140  }
0x6d: {  	[sflag:s1] =	ssyncset.done @p1 $0x0  }
0x6e: {  	s12 =	simm.s32 @p1 $0x180;
	[sflag:s1] =	ssyncadd.s32 @p1 $0xFFFFFEC0;
	s1 =	simm.s32 @p1 $0x50  }
0x6f: {  	[tilespmem:s12], [sflag:$0x1] =	stream.indirect.gather @p1 [hbm4b:s4+s1], $0x80, s0, s1, $0xb8;
	[tilespmem:$0xA180] =	vst v63  }
0x70: {  	s0 =	simm.s32 @p1 $0x2980  }
0x71: {  	[tilespmem:s0], [sflag:$0x1] =	stream.indirect.gather @p1 [hbm4b:s4+s1], $0x80, s1, s1, $0xb8;
	[tilespmem:$0xA180] =	vst v63  }
0x72: {  	s12 =	simm.s32 @p1 $0x5180;
	s0 =	simm.s32 @p1 $0xA0  }
0x73: {  	[tilespmem:s12], [sflag:$0x1] =	stream.indirect.gather @p1 [hbm4b:s4+s1], $0x80, s0, s1, $0xb8;
	[tilespmem:$0xA180] =	vst v63  }
0x74: {  	s0 =	simm.s32 @p1 $0xF0;
	s12 =	simm.s32 @p1 $0x7980  }
0x75: {  	[tilespmem:s12], [sflag:$0x1] =	stream.indirect.gather @p1 [hbm4b:s4+s1], $0x80, s0, s1, $0xb8;
	[tilespmem:$0xA180] =	vst v63  }
0x76: {  	s0 =	simm.s32 @!p1 $0x0;
	s1 =	simm.s32 @!p1 $0x2  }
0x77: {  	[tilespmem:s0], [sflag:$0x2] =	stream.linear.gather @!p1 [hbm4b:s9+s0], $0x50, $0x38;
	[tilespmem:$0xA180] =	vst v63  }
0x78: {  	_ =	swait.ge @!p1 [sflag:s1], $0x50  }
0x79: {  	[sflag:s1] =	ssyncset.done @!p1 $0x0  }
0x7a: {  	s9 =	simm.s32 @!p1 $0x180;
	[sflag:s1] =	ssyncadd.s32 @!p1 $0xFFFFFFB0;
	s1 =	simm.s32 @!p1 $0x50  }
0x7b: {  	[tilespmem:s9], [sflag:$0x1] =	stream.indirect.gather @!p1 [hbm4b:s4+s1], $0x80, s0, s1, $0xb8;
	[tilespmem:$0xA180] =	vst v63  }
0x7c: {  	_ =	swait.ge [sflag:s10], $0x2800  }
0x7d: {  	[sflag:s10] =	ssyncset.done $0x0  }
0x7e: {  	[sflag:s10] =	ssyncadd.s32 $0xFFFFD800  }
0x7f: {  	[hbm4b:s7+s6] =	stream.linear.scatter [tilespmem:s11], [sflag:$0x2], $0x2800, $0x38;
	[tilespmem:$0xA180] =	vst v63  }
0x80: {  	_ =	swait.ge [sflag:s8], $0x2800  }
0x81: {  	[sflag:s8] =	ssyncset.done $0x0  }
0x82: {  	s0 =	simm.s32 @!p0 $0x1;
	[sflag:s8] =	ssyncadd.s32 $0xFFFFD800  }
0x83: {  	_ =	swait.ge @!p0 [sflag:s0], $0x2800  }
0x84: {  	s1 =	simm.s32 @!p0 $0x2;
	[sflag:s0] =	ssyncset.done @!p0 $0x0  }
0x85: {  	s4 =	simm.s32 @!p0 $0x0;
	s6 =	simm.s32 @!p0 $0x2980;
	[sflag:s0] =	ssyncadd.s32 @!p0 $0xFFFFD800  }
0x86: {  	[hbm4b:s5+s4] =	stream.linear.scatter @!p0 [tilespmem:s6], [sflag:$0x2], $0x2800, $0x38;
	[tilespmem:$0xA180] =	vst v63  }
0x87: {  	_ =	swait.ge @!p0 [sflag:s1], $0x2800  }
0x88: {  	[sflag:s1] =	ssyncset.done @!p0 $0x0  }
0x89: {  	[sflag:s1] =	ssyncadd.s32 @!p0 $0xFFFFD800  }
0x8a: {  	_ =	swait.ge @!p0 [sflag:s0], $0x2800  }
0x8b: {  	[sflag:s0] =	ssyncset.done @!p0 $0x0  }
0x8c: {  	s5 =	simm.s32 @!p0 $0x5180;
	[sflag:s0] =	ssyncadd.s32 @!p0 $0xFFFFD800  }
0x8d: {  	[hbm4b:s3+s4] =	stream.linear.scatter @!p0 [tilespmem:s5], [sflag:$0x2], $0x2800, $0x38;
	[tilespmem:$0xA180] =	vst v63  }
0x8e: {  	_ =	swait.ge @!p0 [sflag:s1], $0x2800  }
0x8f: {  	[sflag:s1] =	ssyncset.done @!p0 $0x0  }
0x90: {  	[sflag:s1] =	ssyncadd.s32 @!p0 $0xFFFFD800  }
0x91: {  	_ =	swait.ge @!p0 [sflag:s0], $0x2800  }
0x92: {  	[sflag:s0] =	ssyncset.done @!p0 $0x0  }
0x93: {  	[sflag:s0] =	ssyncadd.s32 @!p0 $0xFFFFD800;
	s0 =	simm.s32 @!p0 $0x7980  }
0x94: {  	[hbm4b:s2+s4] =	stream.linear.scatter @!p0 [tilespmem:s0], [sflag:$0x2], $0x2800, $0x38;
	[tilespmem:$0xA180] =	vst v63  }
0x95: {  	_ =	swait.ge @!p0 [sflag:s1], $0x2800  }
0x96: {  	[sflag:s1] =	ssyncset.done @!p0 $0x0  }
0x97: {  	[sflag:s1] =	ssyncadd.s32 @!p0 $0xFFFFD800  }
0x98: {  	_ =	sfence.sel $0x180000  }
0x99: {  	[bflag:$0x0] =	sbarrier.arrive $0xFFFF  }
0x9a: {  	p0 =	sne.s32 s13, $0x0;
	_ =	strace $0x90000047  }
0x9b: {  	s0 =	sadd.s32 @!p0 $0x100000, s14;
	[bflag:$0x2] =	sbarrier.arrive $0xFFFF  }
0x9c: {  	[sflag:s0] =	ssyncadd.tile.s32 @!p0 $0x1;
	_ =	shalt  }
.LBB2_2:
.Ltmp3:
0x9d: {  	(pc) =	sbr.rel .LBB2_5-.Ltmp3, $2  }
0x9e: {  	_ =	sdelay $0x2  }
0x9f: {  	s13 =	stileid.u32;
	s14 =	rddreg [dreg:$0x3]  }
.Lfunc_end2:
_tile_overlayer_lowered:
.L_overlay_start_2:
0xa0: {  	(tag) =	ssettag $0x2  }
0xa1: {  	s0 =	rddreg [dreg:$0x0];
	s2 =	stileid.u32  }
0xa2: {  	s1 =	rddreg [dreg:$0x1];
	p0 =	sne.s32 s2, $0x0  }
0xa3: {  	s3 =	rddreg [dreg:$0x2];
	[bflag:$0x3] =	sbarrier.arrive $0xFFFF;
	s2 =	simm.s32 @!p0 $0x1C02  }
0xa4: {  	[timem:s3], [sflag:s2] =	dma.local @!p0 [hbm:s0], s1  }
0xa5: {  	s0 =	simm.s32 @!p0 $0x2  }
0xa6: {  	_ =	swait.ge @!p0 [sflag:s0], s1  }
0xa7: {  	s1 =	ssub.s32 @!p0 $0x0, s1;
	[sflag:s0] =	ssyncset.done @!p0 $0x0  }
0xa8: {  	[sflag:s0] =	ssyncadd.s32 @!p0 s1  }
0xa9: {  	[bflag:$0x3] =	sbarrier.arrive $0xFFFF  }
0xaa: {  	_ =	shalt  }

</sc_bundles>
